<compile_context>
chip_gen: v7x
topology: tpu7x:2x2x1
jax: 0.10.2.dev20260603
libtpu: 0.0.44.dev20260713+nightly
codegen_flags: <defaults>
</compile_context>

<pallas_src>
import functools

import jax
import jax.numpy as jnp
from jax import lax
from jax.experimental import pallas as pl
from jax.experimental.pallas import tpu as pltpu
from jax.experimental.pallas import tpu_sc as plsc

D_MODEL = 768
D_SCORE = 192
D_DETAIL = 384
K = 32
B, S = 4, 8192
N_TOK = B * S

NC, NS, L = 2, 16, 16
N_GROUP = S // L

NEG_INF = float("-inf")
BIG_I32 = 2 ** 30


def _gelu_exact(x):
    return 0.5 * x * (1.0 + lax.erf(x * jnp.float32(0.7071067811865476)))



def _score_body(h_ref, m_ref, w1_ref, b1_ref, w2_ref, out_ref):
    h = h_ref[...]
    z = jnp.dot(h, w1_ref[...], preferred_element_type=jnp.float32,
                precision=lax.Precision.HIGHEST)
    z = z + b1_ref[0]
    g = _gelu_exact(z)
    s = jnp.sum(g * w2_ref[0], axis=-1)
    s = jnp.where(m_ref[0] == 0, NEG_INF, s)
    out_ref[0, :] = s


def _scores(hidden2d, mask2d, Ws1, bs1, Ws2, ts=1024):
    grid = (N_TOK // ts,)
    return pl.pallas_call(
        _score_body,
        grid=grid,
        in_specs=[
            pl.BlockSpec((ts, D_MODEL), lambda i: (i, 0)),
            pl.BlockSpec((1, ts), lambda i: (0, i)),
            pl.BlockSpec((D_MODEL, D_SCORE), lambda i: (0, 0)),
            pl.BlockSpec((1, D_SCORE), lambda i: (0, 0)),
            pl.BlockSpec((1, D_SCORE), lambda i: (0, 0)),
        ],
        out_specs=pl.BlockSpec((1, ts), lambda i: (0, i)),
        out_shape=jax.ShapeDtypeStruct((1, N_TOK), jnp.float32),
    )(hidden2d, mask2d, Ws1, bs1, Ws2)



def _sc_body(scores_hbm, hidden_hbm, ts_hbm, sel_hbm,
             chunk, gmax, cval, selidx, rows, sem):
    cid = lax.axis_index("c")
    sid = lax.axis_index("s")
    b = cid * 2 + sid % 2
    lanes = lax.iota(jnp.int32, L)
    lane0 = lanes == 0

    pltpu.sync_copy(scores_hbm.at[0, pl.ds(b * S, S)], chunk)

    def build_outer(o, _):
        def build_inner(j, acc):
            v = chunk[pl.ds((o * L + j) * L, L)]
            return jnp.where(lanes == j, jnp.max(v), acc)
        acc = lax.fori_loop(0, L, build_inner, jnp.full((L,), NEG_INF))
        gmax[pl.ds(o * L, L)] = acc
        return 0
    lax.fori_loop(0, N_GROUP // L, build_outer, 0)

    def _put(ref, pos, value):
        plsc.store_scatter(ref, [jnp.full((L,), pos, jnp.int32)],
                           jnp.full((L,), value), mask=lane0)

    def extract(i, _):
        def scan_g(o, carry):
            bv, bo = carry
            v = gmax[pl.ds(o * L, L)]
            better = v > bv
            return (jnp.where(better, v, bv), jnp.where(better, o, bo))
        bv, bo = lax.fori_loop(0, N_GROUP // L, scan_g,
                               (jnp.full((L,), NEG_INF),
                                jnp.zeros((L,), jnp.int32)))
        m = jnp.max(bv)
        g = jnp.min(jnp.where(bv == m, bo * L + lanes, BIG_I32))
        v = chunk[pl.ds(g * L, L)]
        sel = jnp.min(jnp.where(v == m, g * L + lanes, BIG_I32))
        _put(cval, i, m)
        _put(selidx, i, sel)
        _put(chunk, sel, NEG_INF)
        v2 = chunk[pl.ds(g * L, L)]
        _put(gmax, g, jnp.max(v2))
        return 0
    lax.fori_loop(0, K, extract, 0)

    @pl.when(sid < 2)
    def _emit():
        pltpu.sync_copy(cval, ts_hbm.at[b])
        pltpu.async_copy(hidden_hbm.at[b].at[selidx], rows, sem).wait()
        pltpu.sync_copy(rows, sel_hbm.at[pl.ds(b * K, K)])


def _topk_gather(scores, hidden3d):
    mesh = plsc.VectorSubcoreMesh(core_axis_name="c", subcore_axis_name="s",
                                  num_cores=NC, num_subcores=NS)
    run = functools.partial(
        pl.kernel,
        mesh=mesh,
        compiler_params=pltpu.CompilerParams(needs_layout_passes=False),
        out_type=[
            jax.ShapeDtypeStruct((B, K), jnp.float32),
            jax.ShapeDtypeStruct((B * K, D_MODEL), jnp.float32),
        ],
        scratch_types=[
            pltpu.VMEM((S,), jnp.float32),
            pltpu.VMEM((N_GROUP,), jnp.float32),
            pltpu.VMEM((K,), jnp.float32),
            pltpu.VMEM((K,), jnp.int32),
            pltpu.VMEM((K, D_MODEL), jnp.float32),
            pltpu.SemaphoreType.DMA,
        ],
    )(_sc_body)
    return run(scores, hidden3d)



def _proj_body(x_ref, ts_ref, w1_ref, b1_ref, w2_ref, b2_ref, g_ref, be_ref,
               d_ref, mask_ref):
    i = pl.program_id(0)
    x = x_ref[...]
    z = jnp.dot(x, w1_ref[...], preferred_element_type=jnp.float32,
                precision=lax.Precision.HIGHEST)
    h = _gelu_exact(z + b1_ref[0])
    y = jnp.dot(h, w2_ref[...], preferred_element_type=jnp.float32,
                precision=lax.Precision.HIGHEST)
    y = y + b2_ref[0]
    mu = jnp.mean(y, axis=-1, keepdims=True)
    yc = y - mu
    var = jnp.mean(yc * yc, axis=-1, keepdims=True)
    d_ref[0] = yc * lax.rsqrt(var + 1e-5) * g_ref[0] + be_ref[0]
    mask_ref[i, :] = (ts_ref[i] > NEG_INF).astype(jnp.float32)


def _project(selected, top_scores, Wp1, bp1, Wp2, bp2, gamma, beta):
    return pl.pallas_call(
        _proj_body,
        grid=(B,),
        in_specs=[
            pl.BlockSpec((K, D_MODEL), lambda i: (i, 0)),
            pl.BlockSpec((B, K), lambda i: (0, 0)),
            pl.BlockSpec((D_MODEL, D_DETAIL), lambda i: (0, 0)),
            pl.BlockSpec((1, D_DETAIL), lambda i: (0, 0)),
            pl.BlockSpec((D_DETAIL, D_DETAIL), lambda i: (0, 0)),
            pl.BlockSpec((1, D_DETAIL), lambda i: (0, 0)),
            pl.BlockSpec((1, D_DETAIL), lambda i: (0, 0)),
            pl.BlockSpec((1, D_DETAIL), lambda i: (0, 0)),
        ],
        out_specs=[
            pl.BlockSpec((1, K, D_DETAIL), lambda i: (i, 0, 0)),
            pl.BlockSpec((B, K), lambda i: (0, 0)),
        ],
        out_shape=[
            jax.ShapeDtypeStruct((B, K, D_DETAIL), jnp.float32),
            jax.ShapeDtypeStruct((B, K), jnp.float32),
        ],
    )(selected, top_scores, Wp1, bp1, Wp2, bp2, gamma, beta)


def kernel(hidden_states, attention_mask, Ws1, bs1, Ws2, bs2,
           Wp1, bp1, Wp2, bp2, gamma, beta):
    hidden2d = hidden_states.reshape(N_TOK, D_MODEL)
    mask2d = attention_mask.reshape(1, N_TOK)
    scores = _scores(hidden2d, mask2d, Ws1, bs1.reshape(1, D_SCORE),
                     Ws2.reshape(1, D_SCORE))
    top_scores, selected = _topk_gather(scores, hidden_states)
    d, detail_mask = _project(
        selected, top_scores,
        Wp1, bp1.reshape(1, D_DETAIL), Wp2, bp2.reshape(1, D_DETAIL),
        gamma.reshape(1, D_DETAIL), beta.reshape(1, D_DETAIL))
    return d, detail_mask

# --- scband reference (transcript-rebuilt; emitter-appended) ---
"""Pipeline reference for scband-detail-encoder-6640019440245 (READ-ONLY COPY).

The authoritative reference and input builder live on the scoring server;
editing this copy changes nothing except your own understanding.
"""

import jax, jax.numpy as jnp
import numpy as np

D_MODEL = 768
D_DETAIL = 384
MAX_DETAIL = 32
B, S = 4, 8192


def setup_inputs(seed: int = 0) -> dict:
    key = jax.random.key(seed)
    ks = jax.random.split(key, 8)
    hidden_states = jax.random.normal(ks[0], (B, S, D_MODEL), dtype=jnp.float32)
    attention_mask = jax.random.randint(ks[1], (B, S), 0, 2).astype(jnp.int32)
    sc = 0.02
    Ws1 = (jax.random.normal(ks[2], (D_MODEL, D_MODEL // 4)) * sc).astype(jnp.float32)
    bs1 = jnp.zeros((D_MODEL // 4,), dtype=jnp.float32)
    Ws2 = (jax.random.normal(ks[3], (D_MODEL // 4, 1)) * sc).astype(jnp.float32)
    bs2 = jnp.zeros((1,), dtype=jnp.float32)
    Wp1 = (jax.random.normal(ks[4], (D_MODEL, D_DETAIL)) * sc).astype(jnp.float32)
    bp1 = jnp.zeros((D_DETAIL,), dtype=jnp.float32)
    Wp2 = (jax.random.normal(ks[5], (D_DETAIL, D_DETAIL)) * sc).astype(jnp.float32)
    bp2 = jnp.zeros((D_DETAIL,), dtype=jnp.float32)
    gamma = jnp.ones((D_DETAIL,), dtype=jnp.float32)
    beta = jnp.zeros((D_DETAIL,), dtype=jnp.float32)
    return {
        'hidden_states': hidden_states, 'attention_mask': attention_mask,
        'Ws1': Ws1, 'bs1': bs1, 'Ws2': Ws2, 'bs2': bs2,
        'Wp1': Wp1, 'bp1': bp1, 'Wp2': Wp2, 'bp2': bp2,
        'gamma': gamma, 'beta': beta,
    }


def reference(hidden_states, attention_mask, Ws1, bs1, Ws2, bs2, Wp1, bp1, Wp2, bp2, gamma, beta):
    # scorer: Linear -> GELU -> Linear -> squeeze
    s = jax.nn.gelu(hidden_states @ Ws1 + bs1, approximate=False)
    scores = jnp.squeeze(s @ Ws2 + bs2, axis=-1)  # [B, S]
    scores = jnp.where(attention_mask == 0, -jnp.inf, scores)
    num_select = min(MAX_DETAIL, S)
    top_scores, top_indices = jax.lax.top_k(scores, num_select)  # [B, k]
    # gather selected hidden states: [B, k, d_model]
    selected = jnp.take_along_axis(hidden_states, top_indices[..., None], axis=1)
    # proj: Linear -> GELU -> (Dropout eval=identity) -> Linear
    d = jax.nn.gelu(selected @ Wp1 + bp1, approximate=False)
    d = d @ Wp2 + bp2
    # LayerNorm
    mu = jnp.mean(d, axis=-1, keepdims=True)
    var = jnp.var(d, axis=-1, keepdims=True)
    d = (d - mu) / jnp.sqrt(var + 1e-5) * gamma + beta
    detail_mask = (top_scores > -jnp.inf).astype(jnp.float32)
    return d, detail_mask

if __name__ == "__main__":
    import jax
    _d = setup_inputs()
    print(jax.jit(kernel)(*tuple(_d.values())))

</pallas_src>

<mosaic_0001>
#map = affine_map<(d0, d1) -> (0, 0)>
#map1 = affine_map<(d0, d1) -> (0, 0, 0)>
module attributes {stable_mosaic.version = 14 : i64} {
  func.func @_sc_body(%arg0: i32, %arg1: i32, %arg2: memref<1x32768xf32, #tpu.memory_space<hbm>>, %arg3: memref<4x8192x768xf32, #tpu.memory_space<hbm>>, %arg4: memref<4x32xf32, #tpu.memory_space<hbm>>, %arg5: memref<128x768xf32, #tpu.memory_space<hbm>>, %arg6: memref<8192xf32, #tpu.memory_space<vmem>>, %arg7: memref<512xf32, #tpu.memory_space<vmem>>, %arg8: memref<32xf32, #tpu.memory_space<vmem>>, %arg9: memref<32xi32, #tpu.memory_space<vmem>>, %arg10: memref<32x768xf32, #tpu.memory_space<vmem>>, %arg11: memref<!tpu.dma_semaphore, #tpu.memory_space<semaphore_mem>>) attributes {dimension_semantics = [#tpu.dimension_semantics<core_parallel>, #tpu.dimension_semantics<subcore_parallel>], iteration_bounds = array<i64: 2, 16>, scalar_prefetch = 0 : i64, scratch_operands = 6 : i64, tpu.core_type = #tpu.core_type<sc_vector_subcore>, window_params = [{transform_indices = #map}, {transform_indices = #map1}, {transform_indices = #map}, {transform_indices = #map}]} {
    %mul3A = arith.constant 2 : i32
    %mul3A_0 = arith.muli %arg0, %mul3A : i32
    %jit3A = arith.constant 2 : i32
    %eq3A = arith.constant 0 : i32
    %eq3A_1 = arith.cmpi eq, %jit3A, %eq3A : i32
    %jit3A_2 = arith.constant 1 : i32
    %select_n3A = arith.select %eq3A_1, %jit3A_2, %jit3A : i32
    %rem3A = arith.remsi %arg1, %select_n3A : i32
    %ne3A = arith.constant 0 : i32
    %ne3A_3 = arith.cmpi ne, %rem3A, %ne3A : i32
    %lt3A = arith.constant 0 : i32
    %lt3A_4 = arith.cmpi slt, %rem3A, %lt3A : i32
    %lt3A_5 = arith.constant 0 : i32
    %lt3A_6 = arith.cmpi slt, %select_n3A, %lt3A_5 : i32
    %ne3A_7 = arith.xori %lt3A_4, %lt3A_6 : i1
    %and3A = arith.andi %ne3A_7, %ne3A_3 : i1
    %add3A = arith.addi %rem3A, %select_n3A : i32
    %select_n3A_8 = arith.select %and3A, %add3A, %rem3A : i32
    %add3A_9 = arith.addi %mul3A_0, %select_n3A_8 : i32
    %iota3A = tpu.iota {dimensions = array<i32: 0>} : vector<16xi32>
    %eq3A_10 = arith.constant 0 : i32
    %eq3A_11 = vector.broadcast %eq3A_10 : i32 to vector<16xi32>
    %eq3A_12 = arith.cmpi eq, %iota3A, %eq3A_11 : vector<16xi32>
    %mul3A_13 = arith.constant 8192 : i32
    %mul3A_14 = arith.muli %add3A_9, %mul3A_13 : i32
    %run_scoped3A = arith.constant 0 : i32
    "tpu.region"() ({
      %run_scoped3A_31 = tpu.sem_alloc : memref<!tpu.dma_semaphore, #tpu.memory_space<semaphore_mem>>
      %dma_start3A = tpu.memref_slice %arg2[%run_scoped3A, %mul3A_14] : memref<1x32768xf32, #tpu.memory_space<hbm>> -> memref<1x8192xf32, #tpu.memory_space<hbm>>
      %dma_start3A_32 = tpu.memref_squeeze %dma_start3A : memref<1x8192xf32, #tpu.memory_space<hbm>> -> memref<8192xf32, #tpu.memory_space<hbm>>
      %dma_start3A_33 = tpu.memref_slice %arg2[%run_scoped3A, %mul3A_14] : memref<1x32768xf32, #tpu.memory_space<hbm>> -> memref<1x8192xf32, #tpu.memory_space<hbm>>
      %dma_start3A_34 = tpu.memref_squeeze %dma_start3A_33 : memref<1x8192xf32, #tpu.memory_space<hbm>> -> memref<8192xf32, #tpu.memory_space<hbm>>
      tpu.enqueue_dma source(%dma_start3A_34 : memref<8192xf32, #tpu.memory_space<hbm>>) target(%arg6 : memref<8192xf32, #tpu.memory_space<vmem>>) target_semaphore(%run_scoped3A_31 : memref<!tpu.dma_semaphore, #tpu.memory_space<semaphore_mem>>)
      %dma_wait3A = tpu.memref_slice %arg2[%run_scoped3A, %mul3A_14] : memref<1x32768xf32, #tpu.memory_space<hbm>> -> memref<1x8192xf32, #tpu.memory_space<hbm>>
      %dma_wait3A_35 = tpu.memref_squeeze %dma_wait3A : memref<1x8192xf32, #tpu.memory_space<hbm>> -> memref<8192xf32, #tpu.memory_space<hbm>>
      %dma_wait3A_36 = tpu.memref_slice %arg2[%run_scoped3A, %mul3A_14] : memref<1x32768xf32, #tpu.memory_space<hbm>> -> memref<1x8192xf32, #tpu.memory_space<hbm>>
      %dma_wait3A_37 = tpu.memref_squeeze %dma_wait3A_36 : memref<1x8192xf32, #tpu.memory_space<hbm>> -> memref<8192xf32, #tpu.memory_space<hbm>>
      tpu.wait_dma2 semaphore(%run_scoped3A_31 : memref<!tpu.dma_semaphore, #tpu.memory_space<semaphore_mem>>) src(%dma_wait3A_37 : memref<8192xf32, #tpu.memory_space<hbm>>) dst(%arg6 : memref<8192xf32, #tpu.memory_space<vmem>>)
      tpu.yield
    }) : () -> ()
    %scan3A = arith.constant 0 : i32
    %scan3A_15 = arith.constant 0 : i32
    %scan3A_16 = arith.constant 32 : i32
    %scan3A_17 = arith.addi %scan3A_15, %scan3A_16 : i32
    %scan3A_18 = arith.constant 1 : i32
    %scan3A_19 = scf.for %scan3A_31 = %scan3A_15 to %scan3A_17 step %scan3A_18 iter_args(%scan3A_32 = %scan3A) -> (i32)  : i32 {
      %broadcast_in_dim3A = arith.constant 0xFF800000 : f32
      %broadcast_in_dim3A_33 = vector.broadcast %broadcast_in_dim3A : f32 to vector<16xf32>
      %scan3A_34 = arith.constant 0 : i32
      %scan3A_35 = arith.constant 16 : i32
      %scan3A_36 = arith.addi %scan3A_34, %scan3A_35 : i32
      %scan3A_37 = arith.constant 1 : i32
      %scan3A_38 = scf.for %scan3A_44 = %scan3A_34 to %scan3A_36 step %scan3A_37 iter_args(%scan3A_45 = %broadcast_in_dim3A_33) -> (vector<16xf32>)  : i32 {
        %mul3A_46 = arith.constant 16 : i32
        %mul3A_47 = arith.muli %scan3A_31, %mul3A_46 : i32
        %add3A_48 = arith.addi %mul3A_47, %scan3A_44 : i32
        %mul3A_49 = arith.constant 16 : i32
        %mul3A_50 = arith.muli %add3A_48, %mul3A_49 : i32
        %get3A = arith.index_cast %mul3A_50 : i32 to index
        %get3A_51 = tpu.vector_load %arg6[%get3A] {strides = array<i32>} : memref<8192xf32, #tpu.memory_space<vmem>>, vector<16xf32>,
        %eq3A_52 = vector.broadcast %scan3A_44 : i32 to vector<16xi32>
        %eq3A_53 = arith.cmpi eq, %iota3A, %eq3A_52 : vector<16xi32>
        %reduce_max3A = arith.constant true
        %reduce_max3A_54 = vector.broadcast %reduce_max3A : i1 to vector<16xi1>
        %reduce_max3A_55 = tpu.scan <max>, %get3A_51 masked %reduce_max3A_54 : vector<16xf32>, vector<16xi1> -> vector<16xf32>
        %reduce_max3A_56 = vector.extract %reduce_max3A_55[15] : f32 from vector<16xf32>
        %broadcast_in_dim3A_57 = vector.broadcast %reduce_max3A_56 : f32 to vector<16xf32>
        %select_n3A_58 = arith.select %eq3A_53, %broadcast_in_dim3A_57, %scan3A_45 : vector<16xi1>, vector<16xf32>
        scf.yield %select_n3A_58 : vector<16xf32>
      }
      %scan3A_39 = arith.constant 16 : i32
      %mul3A_40 = arith.constant 16 : i32
      %mul3A_41 = arith.muli %scan3A_31, %mul3A_40 : i32
      %swap3A = arith.index_cast %mul3A_41 : i32 to index
      %swap3A_42 = tpu.vector_load %arg7[%swap3A] {strides = array<i32>} : memref<512xf32, #tpu.memory_space<vmem>>, vector<16xf32>,
      tpu.vector_store %arg7[%swap3A], %scan3A_38 {strides = array<i32>} : memref<512xf32, #tpu.memory_space<vmem>>, vector<16xf32>,
      %scan3A_43 = arith.constant 0 : i32
      scf.yield %scan3A_43 : i32
    }
    %scan3A_20 = arith.constant 32 : i32
    %scan3A_21 = arith.constant 0 : i32
    %scan3A_22 = arith.constant 0 : i32
    %scan3A_23 = arith.constant 32 : i32
    %scan3A_24 = arith.addi %scan3A_22, %scan3A_23 : i32
    %scan3A_25 = arith.constant 1 : i32
    %scan3A_26 = scf.for %scan3A_31 = %scan3A_22 to %scan3A_24 step %scan3A_25 iter_args(%scan3A_32 = %scan3A_21) -> (i32)  : i32 {
      %broadcast_in_dim3A = arith.constant 0xFF800000 : f32
      %broadcast_in_dim3A_33 = vector.broadcast %broadcast_in_dim3A : f32 to vector<16xf32>
      %broadcast_in_dim3A_34 = arith.constant 0 : i32
      %broadcast_in_dim3A_35 = vector.broadcast %broadcast_in_dim3A_34 : i32 to vector<16xi32>
      %scan3A_36 = arith.constant 0 : i32
      %scan3A_37 = arith.constant 32 : i32
      %scan3A_38 = arith.addi %scan3A_36, %scan3A_37 : i32
      %scan3A_39 = arith.constant 1 : i32
      %scan3A_40:2 = scf.for %scan3A_99 = %scan3A_36 to %scan3A_38 step %scan3A_39 iter_args(%scan3A_100 = %broadcast_in_dim3A_33, %scan3A_101 = %broadcast_in_dim3A_35) -> (vector<16xf32>, vector<16xi32>)  : i32 {
        %mul3A_102 = arith.constant 16 : i32
        %mul3A_103 = arith.muli %scan3A_99, %mul3A_102 : i32
        %get3A_104 = arith.index_cast %mul3A_103 : i32 to index
        %get3A_105 = tpu.vector_load %arg7[%get3A_104] {strides = array<i32>} : memref<512xf32, #tpu.memory_space<vmem>>, vector<16xf32>,
        %gt3A = arith.cmpf ogt, %get3A_105, %scan3A_100 : vector<16xf32>
        %select_n3A_106 = arith.select %gt3A, %get3A_105, %scan3A_100 : vector<16xi1>, vector<16xf32>
        %broadcast_in_dim3A_107 = vector.broadcast %scan3A_99 : i32 to vector<16xi32>
        %select_n3A_108 = arith.select %gt3A, %broadcast_in_dim3A_107, %scan3A_101 : vector<16xi1>, vector<16xi32>
        scf.yield %select_n3A_106, %select_n3A_108 : vector<16xf32>, vector<16xi32>
      }
      %scan3A_41 = arith.constant 32 : i32
      %reduce_max3A = arith.constant true
      %reduce_max3A_42 = vector.broadcast %reduce_max3A : i1 to vector<16xi1>
      %reduce_max3A_43 = tpu.scan <max>, %scan3A_40#0 masked %reduce_max3A_42 : vector<16xf32>, vector<16xi1> -> vector<16xf32>
      %reduce_max3A_44 = vector.extract %reduce_max3A_43[15] : f32 from vector<16xf32>
      %eq3A_45 = vector.broadcast %reduce_max3A_44 : f32 to vector<16xf32>
      %eq3A_46 = arith.cmpf oeq, %scan3A_40#0, %eq3A_45 : vector<16xf32>
      %mul3A_47 = arith.constant 16 : i32
      %mul3A_48 = vector.broadcast %mul3A_47 : i32 to vector<16xi32>
      %mul3A_49 = arith.muli %scan3A_40#1, %mul3A_48 : vector<16xi32>
      %add3A_50 = arith.addi %mul3A_49, %iota3A : vector<16xi32>
      %jit3A_51 = arith.constant 1073741824 : i32
      %broadcast_in_dim3A_52 = vector.broadcast %jit3A_51 : i32 to vector<16xi32>
      %select_n3A_53 = arith.select %eq3A_46, %add3A_50, %broadcast_in_dim3A_52 : vector<16xi1>, vector<16xi32>
      %reduce_min3A = arith.constant true
      %reduce_min3A_54 = vector.broadcast %reduce_min3A : i1 to vector<16xi1>
      %reduce_min3A_55 = arith.constant -2147483648 : i32
      %reduce_min3A_56 = vector.broadcast %reduce_min3A_55 : i32 to vector<16xi32>
      %reduce_min3A_57 = arith.xori %select_n3A_53, %reduce_min3A_56 : vector<16xi32>
      %reduce_min3A_58 = tpu.scan <min>, %reduce_min3A_57 masked %reduce_min3A_54 : vector<16xi32>, vector<16xi1> -> vector<16xi32>
      %reduce_min3A_59 = arith.xori %reduce_min3A_58, %reduce_min3A_56 : vector<16xi32>
      %reduce_min3A_60 = vector.extract %reduce_min3A_59[15] : i32 from vector<16xi32>
      %mul3A_61 = arith.constant 16 : i32
      %mul3A_62 = arith.muli %reduce_min3A_60, %mul3A_61 : i32
      %get3A = arith.index_cast %mul3A_62 : i32 to index
      %get3A_63 = tpu.vector_load %arg6[%get3A] {strides = array<i32>} : memref<8192xf32, #tpu.memory_space<vmem>>, vector<16xf32>,
      %eq3A_64 = vector.broadcast %reduce_max3A_44 : f32 to vector<16xf32>
      %eq3A_65 = arith.cmpf oeq, %get3A_63, %eq3A_64 : vector<16xf32>
      %mul3A_66 = arith.constant 16 : i32
      %mul3A_67 = arith.muli %reduce_min3A_60, %mul3A_66 : i32
      %add3A_68 = vector.broadcast %mul3A_67 : i32 to vector<16xi32>
      %add3A_69 = arith.addi %add3A_68, %iota3A : vector<16xi32>
      %jit3A_70 = arith.constant 1073741824 : i32
      %broadcast_in_dim3A_71 = vector.broadcast %jit3A_70 : i32 to vector<16xi32>
      %select_n3A_72 = arith.select %eq3A_65, %add3A_69, %broadcast_in_dim3A_71 : vector<16xi1>, vector<16xi32>
      %reduce_min3A_73 = arith.constant true
      %reduce_min3A_74 = vector.broadcast %reduce_min3A_73 : i1 to vector<16xi1>
      %reduce_min3A_75 = arith.constant -2147483648 : i32
      %reduce_min3A_76 = vector.broadcast %reduce_min3A_75 : i32 to vector<16xi32>
      %reduce_min3A_77 = arith.xori %select_n3A_72, %reduce_min3A_76 : vector<16xi32>
      %reduce_min3A_78 = tpu.scan <min>, %reduce_min3A_77 masked %reduce_min3A_74 : vector<16xi32>, vector<16xi1> -> vector<16xi32>
      %reduce_min3A_79 = arith.xori %reduce_min3A_78, %reduce_min3A_76 : vector<16xi32>
      %reduce_min3A_80 = vector.extract %reduce_min3A_79[15] : i32 from vector<16xi32>
      %broadcast_in_dim3A_81 = vector.broadcast %scan3A_31 : i32 to vector<16xi32>
      %broadcast_in_dim3A_82 = vector.broadcast %reduce_max3A_44 : f32 to vector<16xf32>
      tpu.vector_store_idx %arg8[%broadcast_in_dim3A_81], %broadcast_in_dim3A_82 masked %eq3A_12 : memref<32xf32, #tpu.memory_space<vmem>>[vector<16xi32>], vector<16xf32>, vector<16xi1>
      %broadcast_in_dim3A_83 = vector.broadcast %scan3A_31 : i32 to vector<16xi32>
      %broadcast_in_dim3A_84 = vector.broadcast %reduce_min3A_80 : i32 to vector<16xi32>
      tpu.vector_store_idx %arg9[%broadcast_in_dim3A_83], %broadcast_in_dim3A_84 masked %eq3A_12 : memref<32xi32, #tpu.memory_space<vmem>>[vector<16xi32>], vector<16xi32>, vector<16xi1>
      %broadcast_in_dim3A_85 = vector.broadcast %reduce_min3A_80 : i32 to vector<16xi32>
      %broadcast_in_dim3A_86 = arith.constant 0xFF800000 : f32
      %broadcast_in_dim3A_87 = vector.broadcast %broadcast_in_dim3A_86 : f32 to vector<16xf32>
      tpu.vector_store_idx %arg6[%broadcast_in_dim3A_85], %broadcast_in_dim3A_87 masked %eq3A_12 : memref<8192xf32, #tpu.memory_space<vmem>>[vector<16xi32>], vector<16xf32>, vector<16xi1>
      %mul3A_88 = arith.constant 16 : i32
      %mul3A_89 = arith.muli %reduce_min3A_60, %mul3A_88 : i32
      %get3A_90 = arith.index_cast %mul3A_89 : i32 to index
      %get3A_91 = tpu.vector_load %arg6[%get3A_90] {strides = array<i32>} : memref<8192xf32, #tpu.memory_space<vmem>>, vector<16xf32>,
      %reduce_max3A_92 = arith.constant true
      %reduce_max3A_93 = vector.broadcast %reduce_max3A_92 : i1 to vector<16xi1>
      %reduce_max3A_94 = tpu.scan <max>, %get3A_91 masked %reduce_max3A_93 : vector<16xf32>, vector<16xi1> -> vector<16xf32>
      %reduce_max3A_95 = vector.extract %reduce_max3A_94[15] : f32 from vector<16xf32>
      %broadcast_in_dim3A_96 = vector.broadcast %reduce_min3A_60 : i32 to vector<16xi32>
      %broadcast_in_dim3A_97 = vector.broadcast %reduce_max3A_95 : f32 to vector<16xf32>
      tpu.vector_store_idx %arg7[%broadcast_in_dim3A_96], %broadcast_in_dim3A_97 masked %eq3A_12 : memref<512xf32, #tpu.memory_space<vmem>>[vector<16xi32>], vector<16xf32>, vector<16xi1>
      %scan3A_98 = arith.constant 0 : i32
      scf.yield %scan3A_98 : i32
    }
    %scan3A_27 = arith.constant 32 : i32
    %lt3A_28 = arith.constant 2 : i32
    %lt3A_29 = arith.cmpi slt, %arg1, %lt3A_28 : i32
    %convert_element_type3A = arith.extui %lt3A_29 : i1 to i32
    %cond3A = arith.constant 0 : i32
    %cond3A_30 = arith.cmpi ne, %convert_element_type3A, %cond3A : i32
    scf.if %cond3A_30 {
      "tpu.region"() ({
        %run_scoped3A_45 = tpu.sem_alloc : memref<!tpu.dma_semaphore, #tpu.memory_space<semaphore_mem>>
        %dma_start3A_46 = arith.constant 0 : i32
        %dma_start3A_47 = tpu.memref_slice %arg4[%add3A_9, %dma_start3A_46] : memref<4x32xf32, #tpu.memory_space<hbm>> -> memref<1x32xf32, #tpu.memory_space<hbm>>
        %dma_start3A_48 = tpu.memref_squeeze %dma_start3A_47 : memref<1x32xf32, #tpu.memory_space<hbm>> -> memref<32xf32, #tpu.memory_space<hbm>>
        %dma_start3A_49 = arith.constant 0 : i32
        %dma_start3A_50 = tpu.memref_slice %arg4[%add3A_9, %dma_start3A_49] : memref<4x32xf32, #tpu.memory_space<hbm>> -> memref<1x32xf32, #tpu.memory_space<hbm>>
        %dma_start3A_51 = tpu.memref_squeeze %dma_start3A_50 : memref<1x32xf32, #tpu.memory_space<hbm>> -> memref<32xf32, #tpu.memory_space<hbm>>
        tpu.enqueue_dma source(%arg8 : memref<32xf32, #tpu.memory_space<vmem>>) target(%dma_start3A_51 : memref<32xf32, #tpu.memory_space<hbm>>) target_semaphore(%run_scoped3A_45 : memref<!tpu.dma_semaphore, #tpu.memory_space<semaphore_mem>>)
        %dma_wait3A_52 = arith.constant 0 : i32
        %dma_wait3A_53 = tpu.memref_slice %arg4[%add3A_9, %dma_wait3A_52] : memref<4x32xf32, #tpu.memory_space<hbm>> -> memref<1x32xf32, #tpu.memory_space<hbm>>
        %dma_wait3A_54 = tpu.memref_squeeze %dma_wait3A_53 : memref<1x32xf32, #tpu.memory_space<hbm>> -> memref<32xf32, #tpu.memory_space<hbm>>
        %dma_wait3A_55 = arith.constant 0 : i32
        %dma_wait3A_56 = tpu.memref_slice %arg4[%add3A_9, %dma_wait3A_55] : memref<4x32xf32, #tpu.memory_space<hbm>> -> memref<1x32xf32, #tpu.memory_space<hbm>>
        %dma_wait3A_57 = tpu.memref_squeeze %dma_wait3A_56 : memref<1x32xf32, #tpu.memory_space<hbm>> -> memref<32xf32, #tpu.memory_space<hbm>>
        tpu.wait_dma2 semaphore(%run_scoped3A_45 : memref<!tpu.dma_semaphore, #tpu.memory_space<semaphore_mem>>) src(%arg8 : memref<32xf32, #tpu.memory_space<vmem>>) dst(%dma_wait3A_57 : memref<32xf32, #tpu.memory_space<hbm>>)
        tpu.yield
      }) : () -> ()
      %dma_start3A = arith.constant 0 : i32
      %dma_start3A_31 = arith.constant 0 : i32
      %dma_start3A_32 = tpu.memref_slice %arg3[%add3A_9, %dma_start3A, %dma_start3A_31] : memref<4x8192x768xf32, #tpu.memory_space<hbm>> -> memref<1x8192x768xf32, #tpu.memory_space<hbm>>
      %dma_start3A_33 = tpu.memref_squeeze %dma_start3A_32 : memref<1x8192x768xf32, #tpu.memory_space<hbm>> -> memref<8192x768xf32, #tpu.memory_space<hbm>>
      %dma_start3A_34 = arith.constant 0 : i32
      %dma_start3A_35 = arith.constant 0 : i32
      %dma_start3A_36 = tpu.memref_slice %dma_start3A_33[%dma_start3A_34, %dma_start3A_35] : memref<8192x768xf32, #tpu.memory_space<hbm>> -> memref<8192x768xf32, #tpu.memory_space<hbm>>
      tpu.enqueue_indirect_dma source(%dma_start3A_36 : memref<8192x768xf32, #tpu.memory_space<hbm>>) target(%arg10 : memref<32x768xf32, #tpu.memory_space<vmem>>) offsets(%arg9 : memref<32xi32, #tpu.memory_space<vmem>>) semaphore(%arg11 : memref<!tpu.dma_semaphore, #tpu.memory_space<semaphore_mem>>)
      %dma_wait3A = arith.constant 0 : i32
      %dma_wait3A_37 = arith.constant 0 : i32
      %dma_wait3A_38 = tpu.memref_slice %arg3[%add3A_9, %dma_wait3A, %dma_wait3A_37] : memref<4x8192x768xf32, #tpu.memory_space<hbm>> -> memref<1x8192x768xf32, #tpu.memory_space<hbm>>
      %dma_wait3A_39 = tpu.memref_squeeze %dma_wait3A_38 : memref<1x8192x768xf32, #tpu.memory_space<hbm>> -> memref<8192x768xf32, #tpu.memory_space<hbm>>
      %dma_wait3A_40 = arith.constant 0 : i32
      %dma_wait3A_41 = arith.constant 0 : i32
      %dma_wait3A_42 = tpu.memref_slice %dma_wait3A_39[%dma_wait3A_40, %dma_wait3A_41] : memref<8192x768xf32, #tpu.memory_space<hbm>> -> memref<8192x768xf32, #tpu.memory_space<hbm>>
      tpu.wait_indirect_dma semaphore(%arg11 : memref<!tpu.dma_semaphore, #tpu.memory_space<semaphore_mem>>) src(%dma_wait3A_42 : memref<8192x768xf32, #tpu.memory_space<hbm>>) dst(%arg10 : memref<32x768xf32, #tpu.memory_space<vmem>>)
      %mul3A_43 = arith.constant 32 : i32
      %mul3A_44 = arith.muli %add3A_9, %mul3A_43 : i32
      "tpu.region"() ({
        %run_scoped3A_45 = tpu.sem_alloc : memref<!tpu.dma_semaphore, #tpu.memory_space<semaphore_mem>>
        %dma_start3A_46 = arith.constant 0 : i32
        %dma_start3A_47 = tpu.memref_slice %arg5[%mul3A_44, %dma_start3A_46] : memref<128x768xf32, #tpu.memory_space<hbm>> -> memref<32x768xf32, #tpu.memory_space<hbm>>
        %dma_start3A_48 = arith.constant 0 : i32
        %dma_start3A_49 = tpu.memref_slice %arg5[%mul3A_44, %dma_start3A_48] : memref<128x768xf32, #tpu.memory_space<hbm>> -> memref<32x768xf32, #tpu.memory_space<hbm>>
        tpu.enqueue_dma source(%arg10 : memref<32x768xf32, #tpu.memory_space<vmem>>) target(%dma_start3A_49 : memref<32x768xf32, #tpu.memory_space<hbm>>) target_semaphore(%run_scoped3A_45 : memref<!tpu.dma_semaphore, #tpu.memory_space<semaphore_mem>>)
        %dma_wait3A_50 = arith.constant 0 : i32
        %dma_wait3A_51 = tpu.memref_slice %arg5[%mul3A_44, %dma_wait3A_50] : memref<128x768xf32, #tpu.memory_space<hbm>> -> memref<32x768xf32, #tpu.memory_space<hbm>>
        %dma_wait3A_52 = arith.constant 0 : i32
        %dma_wait3A_53 = tpu.memref_slice %arg5[%mul3A_44, %dma_wait3A_52] : memref<128x768xf32, #tpu.memory_space<hbm>> -> memref<32x768xf32, #tpu.memory_space<hbm>>
        tpu.wait_dma2 semaphore(%run_scoped3A_45 : memref<!tpu.dma_semaphore, #tpu.memory_space<semaphore_mem>>) src(%arg10 : memref<32x768xf32, #tpu.memory_space<vmem>>) dst(%dma_wait3A_53 : memref<32x768xf32, #tpu.memory_space<hbm>>)
        tpu.yield
      }) : () -> ()
    } else {
    }
    return
  }
}

module attributes {stable_mosaic.version = 14 : i64} {
  func.func @_score_body(%arg0: i32, %arg1: memref<1024x768xf32, #tpu.memory_space<vmem>>, %arg2: memref<1x1024xi32, #tpu.memory_space<vmem>>, %arg3: memref<768x192xf32, #tpu.memory_space<vmem>>, %arg4: memref<1x192xf32, #tpu.memory_space<vmem>>, %arg5: memref<1x192xf32, #tpu.memory_space<vmem>>, %arg6: memref<1x1024xf32, #tpu.memory_space<vmem>>) attributes {dimension_semantics = [#tpu.dimension_semantics<arbitrary>], iteration_bounds = array<i64: 32>, scalar_prefetch = 0 : i64, scratch_operands = 0 : i64, tpu.core_type = #tpu.core_type<tc>, window_params = [{transform_indices = @transform_0, window_bounds = array<i64: 1024, 768>}, {transform_indices = @transform_1, window_bounds = array<i64: 1, 1024>}, {pipeline_mode = #tpu.pipeline_mode<synchronous>, transform_indices = @transform_2, window_bounds = array<i64: 768, 192>}, {pipeline_mode = #tpu.pipeline_mode<synchronous>, transform_indices = @transform_3, window_bounds = array<i64: 1, 192>}, {pipeline_mode = #tpu.pipeline_mode<synchronous>, transform_indices = @transform_4, window_bounds = array<i64: 1, 192>}, {transform_indices = @transform_5, window_bounds = array<i64: 1, 1024>}]} {
    %get3A = arith.constant 0 : index
    %get3A_0 = arith.constant 0 : index
    %get3A_1 = vector.load %arg1[%get3A, %get3A_0] : memref<1024x768xf32, #tpu.memory_space<vmem>>, vector<1024x768xf32>
    %get3A_2 = arith.constant 0 : index
    %get3A_3 = arith.constant 0 : index
    %get3A_4 = vector.load %arg3[%get3A_2, %get3A_3] : memref<768x192xf32, #tpu.memory_space<vmem>>, vector<768x192xf32>
    %dot_general3A = arith.constant dense<0.000000e+00> : vector<1024x192xf32>
    %dot_general3A_5 = tpu.matmul %get3A_1, %get3A_4, %dot_general3A {dimension_numbers = #tpu.dot_dimension_numbers<[1], [0], [0], [1], [0, 0, 1, 1], [], []>, precision = #tpu.contract_precision<fp32>, transpose_lhs_hint = false} : vector<1024x768xf32>, vector<768x192xf32>, vector<1024x192xf32> -> vector<1024x192xf32>
    %get3A_6 = arith.constant 0 : index
    %get3A_7 = arith.constant 0 : index
    %get3A_8 = vector.load %arg4[%get3A_6, %get3A_7] : memref<1x192xf32, #tpu.memory_space<vmem>>, vector<1x192xf32>
    %get3A_9 = vector.shape_cast %get3A_8 : vector<1x192xf32> to vector<192xf32>
    %broadcast_in_dim3A = vector.shape_cast %get3A_9 : vector<192xf32> to vector<1x192xf32>
    %add3A = vector.broadcast %broadcast_in_dim3A : vector<1x192xf32> to vector<1024x192xf32>
    %add3A_10 = arith.addf %dot_general3A_5, %add3A : vector<1024x192xf32>
    %mul3A = arith.constant 5.000000e-01 : f32
    %mul3A_11 = vector.broadcast %mul3A : f32 to vector<1024x192xf32>
    %mul3A_12 = arith.mulf %mul3A_11, %add3A_10 : vector<1024x192xf32>
    %mul3A_13 = arith.constant 0.707106769 : f32
    %mul3A_14 = vector.broadcast %mul3A_13 : f32 to vector<1024x192xf32>
    %mul3A_15 = arith.mulf %add3A_10, %mul3A_14 : vector<1024x192xf32>
    %erf3A = math.erf %mul3A_15 : vector<1024x192xf32>
    %add3A_16 = arith.constant 1.000000e+00 : f32
    %add3A_17 = vector.broadcast %add3A_16 : f32 to vector<1024x192xf32>
    %add3A_18 = arith.addf %add3A_17, %erf3A : vector<1024x192xf32>
    %mul3A_19 = arith.mulf %mul3A_12, %add3A_18 : vector<1024x192xf32>
    %get3A_20 = arith.constant 0 : index
    %get3A_21 = arith.constant 0 : index
    %get3A_22 = vector.load %arg5[%get3A_20, %get3A_21] : memref<1x192xf32, #tpu.memory_space<vmem>>, vector<1x192xf32>
    %get3A_23 = vector.shape_cast %get3A_22 : vector<1x192xf32> to vector<192xf32>
    %broadcast_in_dim3A_24 = vector.shape_cast %get3A_23 : vector<192xf32> to vector<1x192xf32>
    %mul3A_25 = vector.broadcast %broadcast_in_dim3A_24 : vector<1x192xf32> to vector<1024x192xf32>
    %mul3A_26 = arith.mulf %mul3A_19, %mul3A_25 : vector<1024x192xf32>
    %reduce_sum3A = arith.constant dense<0.000000e+00> : vector<1024xf32>
    %reduce_sum3A_27 = vector.multi_reduction <add>, %mul3A_26, %reduce_sum3A [1] : vector<1024x192xf32> to vector<1024xf32>
    %get3A_28 = arith.constant 0 : index
    %get3A_29 = arith.constant 0 : index
    %get3A_30 = vector.load %arg2[%get3A_28, %get3A_29] : memref<1x1024xi32, #tpu.memory_space<vmem>>, vector<1x1024xi32>
    %get3A_31 = vector.shape_cast %get3A_30 : vector<1x1024xi32> to vector<1024xi32>
    %eq3A = arith.constant 0 : i32
    %eq3A_32 = vector.broadcast %eq3A : i32 to vector<1024xi32>
    %eq3A_33 = arith.cmpi eq, %get3A_31, %eq3A_32 : vector<1024xi32>
    %jit3A = arith.constant 0xFF800000 : f32
    %broadcast_in_dim3A_34 = vector.broadcast %jit3A : f32 to vector<1024xf32>
    %select_n3A = arith.select %eq3A_33, %broadcast_in_dim3A_34, %reduce_sum3A_27 : vector<1024xi1>, vector<1024xf32>
    %swap3A = arith.constant 0 : index
    %swap3A_35 = arith.constant 0 : index
    %swap3A_36 = vector.load %arg6[%swap3A, %swap3A_35] : memref<1x1024xf32, #tpu.memory_space<vmem>>, vector<1x1024xf32>
    %swap3A_37 = vector.shape_cast %swap3A_36 : vector<1x1024xf32> to vector<1024xf32>
    %swap3A_38 = vector.shape_cast %select_n3A : vector<1024xf32> to vector<1x1024xf32>
    tpu.vector_store %arg6[%swap3A, %swap3A_35], %swap3A_38 {strides = array<i32>} : memref<1x1024xf32, #tpu.memory_space<vmem>>, vector<1x1024xf32>,
    return
  }
  func.func @transform_0(%arg0: i32) -> (i32, i32) {
    %c0_i32 = arith.constant 0 : i32
    %c0_i32_0 = arith.constant 0 : i32
    return %arg0, %c0_i32 : i32, i32
  }
  func.func @transform_1(%arg0: i32) -> (i32, i32) {
    %c0_i32 = arith.constant 0 : i32
    %c0_i32_0 = arith.constant 0 : i32
    return %c0_i32, %arg0 : i32, i32
  }
  func.func @transform_2(%arg0: i32) -> (i32, i32) {
    %c0_i32 = arith.constant 0 : i32
    %c0_i32_0 = arith.constant 0 : i32
    %c0_i32_1 = arith.constant 0 : i32
    return %c0_i32, %c0_i32_0 : i32, i32
  }
  func.func @transform_3(%arg0: i32) -> (i32, i32) {
    %c0_i32 = arith.constant 0 : i32
    %c0_i32_0 = arith.constant 0 : i32
    %c0_i32_1 = arith.constant 0 : i32
    return %c0_i32, %c0_i32_0 : i32, i32
  }
  func.func @transform_4(%arg0: i32) -> (i32, i32) {
    %c0_i32 = arith.constant 0 : i32
    %c0_i32_0 = arith.constant 0 : i32
    %c0_i32_1 = arith.constant 0 : i32
    return %c0_i32, %c0_i32_0 : i32, i32
  }
  func.func @transform_5(%arg0: i32) -> (i32, i32) {
    %c0_i32 = arith.constant 0 : i32
    %c0_i32_0 = arith.constant 0 : i32
    return %c0_i32, %arg0 : i32, i32
  }
}

module attributes {stable_mosaic.version = 14 : i64} {
  func.func @_proj_body(%arg0: i32, %arg1: memref<32x768xf32, #tpu.memory_space<vmem>>, %arg2: memref<4x32xf32, #tpu.memory_space<vmem>>, %arg3: memref<768x384xf32, #tpu.memory_space<vmem>>, %arg4: memref<1x384xf32, #tpu.memory_space<vmem>>, %arg5: memref<384x384xf32, #tpu.memory_space<vmem>>, %arg6: memref<1x384xf32, #tpu.memory_space<vmem>>, %arg7: memref<1x384xf32, #tpu.memory_space<vmem>>, %arg8: memref<1x384xf32, #tpu.memory_space<vmem>>, %arg9: memref<1x32x384xf32, #tpu.memory_space<vmem>>, %arg10: memref<4x32xf32, #tpu.memory_space<vmem>>) attributes {dimension_semantics = [#tpu.dimension_semantics<arbitrary>], iteration_bounds = array<i64: 4>, scalar_prefetch = 0 : i64, scratch_operands = 0 : i64, tpu.core_type = #tpu.core_type<tc>, window_params = [{transform_indices = @transform_0, window_bounds = array<i64: 32, 768>}, {pipeline_mode = #tpu.pipeline_mode<synchronous>, transform_indices = @transform_1, window_bounds = array<i64: 4, 32>}, {pipeline_mode = #tpu.pipeline_mode<synchronous>, transform_indices = @transform_2, window_bounds = array<i64: 768, 384>}, {pipeline_mode = #tpu.pipeline_mode<synchronous>, transform_indices = @transform_3, window_bounds = array<i64: 1, 384>}, {pipeline_mode = #tpu.pipeline_mode<synchronous>, transform_indices = @transform_4, window_bounds = array<i64: 384, 384>}, {pipeline_mode = #tpu.pipeline_mode<synchronous>, transform_indices = @transform_5, window_bounds = array<i64: 1, 384>}, {pipeline_mode = #tpu.pipeline_mode<synchronous>, transform_indices = @transform_6, window_bounds = array<i64: 1, 384>}, {pipeline_mode = #tpu.pipeline_mode<synchronous>, transform_indices = @transform_7, window_bounds = array<i64: 1, 384>}, {transform_indices = @transform_8, window_bounds = array<i64: 1, 32, 384>}, {pipeline_mode = #tpu.pipeline_mode<synchronous>, transform_indices = @transform_9, window_bounds = array<i64: 4, 32>}]} {
    %get3A = arith.constant 0 : index
    %get3A_0 = arith.constant 0 : index
    %get3A_1 = vector.load %arg1[%get3A, %get3A_0] : memref<32x768xf32, #tpu.memory_space<vmem>>, vector<32x768xf32>
    %get3A_2 = arith.constant 0 : index
    %get3A_3 = arith.constant 0 : index
    %get3A_4 = vector.load %arg3[%get3A_2, %get3A_3] : memref<768x384xf32, #tpu.memory_space<vmem>>, vector<768x384xf32>
    %dot_general3A = arith.constant dense<0.000000e+00> : vector<32x384xf32>
    %dot_general3A_5 = tpu.matmul %get3A_1, %get3A_4, %dot_general3A {dimension_numbers = #tpu.dot_dimension_numbers<[1], [0], [0], [1], [0, 0, 1, 1], [], []>, precision = #tpu.contract_precision<fp32>, transpose_lhs_hint = false} : vector<32x768xf32>, vector<768x384xf32>, vector<32x384xf32> -> vector<32x384xf32>
    %get3A_6 = arith.constant 0 : index
    %get3A_7 = arith.constant 0 : index
    %get3A_8 = vector.load %arg4[%get3A_6, %get3A_7] : memref<1x384xf32, #tpu.memory_space<vmem>>, vector<1x384xf32>
    %get3A_9 = vector.shape_cast %get3A_8 : vector<1x384xf32> to vector<384xf32>
    %broadcast_in_dim3A = vector.shape_cast %get3A_9 : vector<384xf32> to vector<1x384xf32>
    %add3A = vector.broadcast %broadcast_in_dim3A : vector<1x384xf32> to vector<32x384xf32>
    %add3A_10 = arith.addf %dot_general3A_5, %add3A : vector<32x384xf32>
    %mul3A = arith.constant 5.000000e-01 : f32
    %mul3A_11 = vector.broadcast %mul3A : f32 to vector<32x384xf32>
    %mul3A_12 = arith.mulf %mul3A_11, %add3A_10 : vector<32x384xf32>
    %mul3A_13 = arith.constant 0.707106769 : f32
    %mul3A_14 = vector.broadcast %mul3A_13 : f32 to vector<32x384xf32>
    %mul3A_15 = arith.mulf %add3A_10, %mul3A_14 : vector<32x384xf32>
    %erf3A = math.erf %mul3A_15 : vector<32x384xf32>
    %add3A_16 = arith.constant 1.000000e+00 : f32
    %add3A_17 = vector.broadcast %add3A_16 : f32 to vector<32x384xf32>
    %add3A_18 = arith.addf %add3A_17, %erf3A : vector<32x384xf32>
    %mul3A_19 = arith.mulf %mul3A_12, %add3A_18 : vector<32x384xf32>
    %get3A_20 = arith.constant 0 : index
    %get3A_21 = arith.constant 0 : index
    %get3A_22 = vector.load %arg5[%get3A_20, %get3A_21] : memref<384x384xf32, #tpu.memory_space<vmem>>, vector<384x384xf32>
    %dot_general3A_23 = arith.constant dense<0.000000e+00> : vector<32x384xf32>
    %dot_general3A_24 = tpu.matmul %mul3A_19, %get3A_22, %dot_general3A_23 {dimension_numbers = #tpu.dot_dimension_numbers<[1], [0], [0], [1], [0, 0, 1, 1], [], []>, precision = #tpu.contract_precision<fp32>, transpose_lhs_hint = false} : vector<32x384xf32>, vector<384x384xf32>, vector<32x384xf32> -> vector<32x384xf32>
    %get3A_25 = arith.constant 0 : index
    %get3A_26 = arith.constant 0 : index
    %get3A_27 = vector.load %arg6[%get3A_25, %get3A_26] : memref<1x384xf32, #tpu.memory_space<vmem>>, vector<1x384xf32>
    %get3A_28 = vector.shape_cast %get3A_27 : vector<1x384xf32> to vector<384xf32>
    %broadcast_in_dim3A_29 = vector.shape_cast %get3A_28 : vector<384xf32> to vector<1x384xf32>
    %add3A_30 = vector.broadcast %broadcast_in_dim3A_29 : vector<1x384xf32> to vector<32x384xf32>
    %add3A_31 = arith.addf %dot_general3A_24, %add3A_30 : vector<32x384xf32>
    %reduce_sum3A = arith.constant dense<0.000000e+00> : vector<32xf32>
    %reduce_sum3A_32 = vector.multi_reduction <add>, %add3A_31, %reduce_sum3A [1] : vector<32x384xf32> to vector<32xf32>
    %broadcast_in_dim3A_33 = vector.shape_cast %reduce_sum3A_32 : vector<32xf32> to vector<32x1xf32>
    %div3A = arith.constant 3.840000e+02 : f32
    %div3A_34 = vector.broadcast %div3A : f32 to vector<32x1xf32>
    %div3A_35 = arith.divf %broadcast_in_dim3A_33, %div3A_34 : vector<32x1xf32>
    %sub3A = vector.broadcast %div3A_35 : vector<32x1xf32> to vector<32x384xf32>
    %sub3A_36 = arith.subf %add3A_31, %sub3A : vector<32x384xf32>
    %mul3A_37 = arith.mulf %sub3A_36, %sub3A_36 : vector<32x384xf32>
    %reduce_sum3A_38 = arith.constant dense<0.000000e+00> : vector<32xf32>
    %reduce_sum3A_39 = vector.multi_reduction <add>, %mul3A_37, %reduce_sum3A_38 [1] : vector<32x384xf32> to vector<32xf32>
    %broadcast_in_dim3A_40 = vector.shape_cast %reduce_sum3A_39 : vector<32xf32> to vector<32x1xf32>
    %div3A_41 = arith.constant 3.840000e+02 : f32
    %div3A_42 = vector.broadcast %div3A_41 : f32 to vector<32x1xf32>
    %div3A_43 = arith.divf %broadcast_in_dim3A_40, %div3A_42 : vector<32x1xf32>
    %add3A_44 = arith.constant 9.99999974E-6 : f32
    %add3A_45 = vector.broadcast %add3A_44 : f32 to vector<32x1xf32>
    %add3A_46 = arith.addf %div3A_43, %add3A_45 : vector<32x1xf32>
    %rsqrt3A = math.rsqrt %add3A_46 : vector<32x1xf32>
    %mul3A_47 = vector.broadcast %rsqrt3A : vector<32x1xf32> to vector<32x384xf32>
    %mul3A_48 = arith.mulf %sub3A_36, %mul3A_47 : vector<32x384xf32>
    %get3A_49 = arith.constant 0 : index
    %get3A_50 = arith.constant 0 : index
    %get3A_51 = vector.load %arg7[%get3A_49, %get3A_50] : memref<1x384xf32, #tpu.memory_space<vmem>>, vector<1x384xf32>
    %get3A_52 = vector.shape_cast %get3A_51 : vector<1x384xf32> to vector<384xf32>
    %broadcast_in_dim3A_53 = vector.shape_cast %get3A_52 : vector<384xf32> to vector<1x384xf32>
    %mul3A_54 = vector.broadcast %broadcast_in_dim3A_53 : vector<1x384xf32> to vector<32x384xf32>
    %mul3A_55 = arith.mulf %mul3A_48, %mul3A_54 : vector<32x384xf32>
    %get3A_56 = arith.constant 0 : index
    %get3A_57 = arith.constant 0 : index
    %get3A_58 = vector.load %arg8[%get3A_56, %get3A_57] : memref<1x384xf32, #tpu.memory_space<vmem>>, vector<1x384xf32>
    %get3A_59 = vector.shape_cast %get3A_58 : vector<1x384xf32> to vector<384xf32>
    %broadcast_in_dim3A_60 = vector.shape_cast %get3A_59 : vector<384xf32> to vector<1x384xf32>
    %add3A_61 = vector.broadcast %broadcast_in_dim3A_60 : vector<1x384xf32> to vector<32x384xf32>
    %add3A_62 = arith.addf %mul3A_55, %add3A_61 : vector<32x384xf32>
    %swap3A = arith.constant 0 : index
    %swap3A_63 = arith.constant 0 : index
    %swap3A_64 = arith.constant 0 : index
    %swap3A_65 = vector.load %arg9[%swap3A, %swap3A_63, %swap3A_64] : memref<1x32x384xf32, #tpu.memory_space<vmem>>, vector<1x32x384xf32>
    %swap3A_66 = vector.shape_cast %swap3A_65 : vector<1x32x384xf32> to vector<32x384xf32>
    %swap3A_67 = vector.shape_cast %add3A_62 : vector<32x384xf32> to vector<1x32x384xf32>
    tpu.vector_store %arg9[%swap3A, %swap3A_63, %swap3A_64], %swap3A_67 {strides = array<i32>} : memref<1x32x384xf32, #tpu.memory_space<vmem>>, vector<1x32x384xf32>,
    %get3A_68 = arith.index_cast %arg0 : i32 to index
    %get3A_69 = arith.constant 0 : index
    %get3A_70 = vector.load %arg2[%get3A_68, %get3A_69] : memref<4x32xf32, #tpu.memory_space<vmem>>, vector<1x32xf32>
    %get3A_71 = vector.shape_cast %get3A_70 : vector<1x32xf32> to vector<32xf32>
    %gt3A = arith.constant 0xFF800000 : f32
    %gt3A_72 = vector.broadcast %gt3A : f32 to vector<32xf32>
    %gt3A_73 = arith.cmpf ogt, %get3A_71, %gt3A_72 : vector<32xf32>
    %convert_element_type3A = arith.extui %gt3A_73 : vector<32xi1> to vector<32xi32>
    %convert_element_type3A_74 = arith.sitofp %convert_element_type3A : vector<32xi32> to vector<32xf32>
    %swap3A_75 = arith.index_cast %arg0 : i32 to index
    %swap3A_76 = arith.constant 0 : index
    %swap3A_77 = vector.load %arg10[%swap3A_75, %swap3A_76] : memref<4x32xf32, #tpu.memory_space<vmem>>, vector<1x32xf32>
    %swap3A_78 = vector.shape_cast %swap3A_77 : vector<1x32xf32> to vector<32xf32>
    %swap3A_79 = vector.shape_cast %convert_element_type3A_74 : vector<32xf32> to vector<1x32xf32>
    tpu.vector_store %arg10[%swap3A_75, %swap3A_76], %swap3A_79 {strides = array<i32>} : memref<4x32xf32, #tpu.memory_space<vmem>>, vector<1x32xf32>,
    return
  }
  func.func @transform_0(%arg0: i32) -> (i32, i32) {
    %c0_i32 = arith.constant 0 : i32
    %c0_i32_0 = arith.constant 0 : i32
    return %arg0, %c0_i32 : i32, i32
  }
  func.func @transform_1(%arg0: i32) -> (i32, i32) {
    %c0_i32 = arith.constant 0 : i32
    %c0_i32_0 = arith.constant 0 : i32
    %c0_i32_1 = arith.constant 0 : i32
    return %c0_i32, %c0_i32_0 : i32, i32
  }
  func.func @transform_2(%arg0: i32) -> (i32, i32) {
    %c0_i32 = arith.constant 0 : i32
    %c0_i32_0 = arith.constant 0 : i32
    %c0_i32_1 = arith.constant 0 : i32
    return %c0_i32, %c0_i32_0 : i32, i32
  }
  func.func @transform_3(%arg0: i32) -> (i32, i32) {
    %c0_i32 = arith.constant 0 : i32
    %c0_i32_0 = arith.constant 0 : i32
    %c0_i32_1 = arith.constant 0 : i32
    return %c0_i32, %c0_i32_0 : i32, i32
  }
  func.func @transform_4(%arg0: i32) -> (i32, i32) {
    %c0_i32 = arith.constant 0 : i32
    %c0_i32_0 = arith.constant 0 : i32
    %c0_i32_1 = arith.constant 0 : i32
    return %c0_i32, %c0_i32_0 : i32, i32
  }
  func.func @transform_5(%arg0: i32) -> (i32, i32) {
    %c0_i32 = arith.constant 0 : i32
    %c0_i32_0 = arith.constant 0 : i32
    %c0_i32_1 = arith.constant 0 : i32
    return %c0_i32, %c0_i32_0 : i32, i32
  }
  func.func @transform_6(%arg0: i32) -> (i32, i32) {
    %c0_i32 = arith.constant 0 : i32
    %c0_i32_0 = arith.constant 0 : i32
    %c0_i32_1 = arith.constant 0 : i32
    return %c0_i32, %c0_i32_0 : i32, i32
  }
  func.func @transform_7(%arg0: i32) -> (i32, i32) {
    %c0_i32 = arith.constant 0 : i32
    %c0_i32_0 = arith.constant 0 : i32
    %c0_i32_1 = arith.constant 0 : i32
    return %c0_i32, %c0_i32_0 : i32, i32
  }
  func.func @transform_8(%arg0: i32) -> (i32, i32, i32) {
    %c0_i32 = arith.constant 0 : i32
    %c0_i32_0 = arith.constant 0 : i32
    %c0_i32_1 = arith.constant 0 : i32
    return %arg0, %c0_i32, %c0_i32_0 : i32, i32, i32
  }
  func.func @transform_9(%arg0: i32) -> (i32, i32) {
    %c0_i32 = arith.constant 0 : i32
    %c0_i32_0 = arith.constant 0 : i32
    %c0_i32_1 = arith.constant 0 : i32
    return %c0_i32, %c0_i32_0 : i32, i32
  }
}

</mosaic_0001>

<sc_bundles>
// kernel: kernel.5.cloned.1.call-start
scs
__scs_entry_jumppad:
0x0: {  	(pc) =	sbr.rel $0x88, $3  }
0x1: {  	(tag) =	ssettag $0x0;
	lr =	simm.s32 $0x1  }
0x2: {  	[smem:$0x3F96] =	sst lr;
	_ =	strace $0xD0000000  }
0x3: {  	_ = 	snop  }
0x4: {  	_ = 	snop  }
0x5: {  	_ = 	snop  }
0x6: {  	_ = 	snop  }
0x7: {  	_ = 	snop  }
__scs_overlays_trampoline_lowered:
0x8: {  	[smem:$0x3FA5] =	sst s0  }
0x9: {  	[smem:$0x3FA6] =	sst s1  }
0xa: {  	[smem:$0x3FA7] =	sst s2  }
0xb: {  	[smem:$0x3FA8] =	sst s3  }
0xc: {  	[smem:$0x3FA9] =	sst s4  }
0xd: {  	[smem:$0x3FAA] =	sst s5  }
0xe: {  	[smem:$0x3FAB] =	sst s6  }
0xf: {  	[smem:$0x3FAC] =	sst s7  }
0x10: {  	[smem:$0x3FAD] =	sst s8  }
0x11: {  	[smem:$0x3FAE] =	sst s9;
	s0 =	simm.s32 @!p0 $0x0  }
0x12: {  	s1 =	sld [smem:$0x3F94];
	s0 =	simm.s32 @p0 $0x1  }
0x13: {  	[smem:$0x3FAF] =	sst s0;
	s0 =	simm.s32 @!p1 $0x0  }
0x14: {  	s2 =	sld [smem:$0x3F93];
	s0 =	simm.s32 @p1 $0x1  }
0x15: {  	[smem:$0x3FB0] =	sst s0;
	s0 =	simm.s32 @!p2 $0x0  }
0x16: {  	s3 =	sld [smem:$0x3FDB];
	s0 =	simm.s32 @p2 $0x1  }
0x17: {  	s4 =	simm.s32 $0x1BF5;
	[smem:$0x3FB2] =	sst s0  }
0x18: {  	s0 =	sld [smem:$0x3F95];
	_ =	swait.ge [sflag:s4], $0x0  }
0x19: {  	s7 =	sld [smem:$0x3F96]  }
0x1a: {  	s8 =	sadd.s32 $0xFFFFE003, lr  }
0x1b: {  	s9 =	sadd.s32 $0xFFFFFEF7, lr;
	s5 =	simm.s32 $0xFFFFFFFF;
	p2 =	slt.u32 s8, $0xFFFFF086  }
0x1c: {  	p1 =	slt.u32 s9, $0xF7A;
	s5 =	simm.s32 @!p2 $0x0  }
0x1d: {  	s5 =	simm.s32 @p1 $0x1;
	p0 =	seq.s32 s7, s2  }
0x1e: {  	s7 =	smul.u32 @!p0 $0xF7A, s2;
	p2 =	seq.s32 @!p0 s5, $0x0  }
0x1f: {  	s9 =	smul.u32 $0xF7A, s1;
	s8 =	simm.s32 @!p0 $0x1BF5;
	p2 =	por !p2, p0  }
0x20: {  	[sflag:s8] =	ssyncset.s32 @!p0 $0xFFFFF086;
	s6 =	sadd.s32 @!p0 s3, s7;
	s7 =	simm.s32 @!p0 $0x108  }
0x21: {  	s3 =	sadd.s32 s3, s9;
	s6 =	sadd.s32 @!p0 $0x88, s6;
	s7 =	simm.s32 @p2 $0x1082  }
0x22: {  	[simem:s7], [sflag:s8] =	dma.local @!p0 [hbm:s6], $0xF7A  }
0x23: {  	s9 =	sor.u32 $0xD0000000, s2;
	s6 =	simm.s32 $0x108;
	_ =	swait.ge @!p0 [sflag:s8], $0x0  }
0x24: {  	s3 =	sadd.s32 $0x88, s3;
	s6 =	simm.s32 @!p1 $0x1082;
	[sflag:s4] =	ssyncset.s32 $0xFFFFF086  }
0x25: {  	[simem:s6], [sflag:s4] =	dma.local [hbm:s3], $0xF7A  }
0x26: {  	[smem:$0x3F96] =	sst s1;
	(tag) =	ssettag s2;
	_ =	strace s9  }
0x27: {  	s1 =	sld [smem:$0x3FA6]  }
0x28: {  	s2 =	sld [smem:$0x3FA7]  }
0x29: {  	s4 =	sld [smem:$0x3FA9]  }
0x2a: {  	p0 =	seq.s32 s5, $0x0;
	s5 =	sld [smem:$0x3FAA]  }
0x2b: {  	s6 =	sld [smem:$0x3FAB]  }
0x2c: {  	s7 =	sld [smem:$0x3FAC]  }
0x2d: {  	s3 =	simm.s32 $0x108;
	s8 =	sld [smem:$0x3FAD]  }
0x2e: {  	s3 =	simm.s32 @!p0 $0x1082;
	s9 =	sld [smem:$0x3FAE]  }
0x2f: {  	lr =	sadd.s32 s0, s3;
	s0 =	sld [smem:$0x3FA5]  }
0x30: {  	s3 =	sld [smem:$0x3FA8]  }
0x31: {  	[smem:$0x3FB1] =	sst s10  }
0x32: {  	s10 =	sld [smem:$0x3FAF];
	_ =	sdelay $0x3  }
0x33: {  	p0 =	seq.s32 s10, $0x1;
	s10 =	sld [smem:$0x3FB1];
	_ =	sdelay $0x3  }
0x34: {  	[smem:$0x3FB1] =	sst s10  }
0x35: {  	s10 =	sld [smem:$0x3FB0];
	_ =	sdelay $0x3  }
0x36: {  	p1 =	seq.s32 s10, $0x1;
	s10 =	sld [smem:$0x3FB1];
	_ =	sdelay $0x3  }
0x37: {  	[smem:$0x3FB1] =	sst s10  }
0x38: {  	s10 =	sld [smem:$0x3FB2]  }
0x39: {  	_ = 	snop;
	(pc) =	sbr.ind lr, $3  }
0x3a: {  	_ = 	snop  }
0x3b: {  	_ = 	snop  }
0x3c: {  	p2 =	seq.s32 s10, $0x1;
	s10 =	sld [smem:$0x3FB1]  }
0x3d: {  	_ =	shalt  }
0x3e: {  	_ =	shalt  }
0x3f: {  	_ =	shalt  }
0x40: {  	_ =	shalt  }
0x41: {  	_ =	shalt  }
0x42: {  	_ =	shalt  }
0x43: {  	_ =	shalt  }
0x44: {  	_ =	shalt  }
0x45: {  	_ =	shalt  }
0x46: {  	_ =	shalt  }
0x47: {  	_ =	shalt  }
0x48: {  	_ =	shalt  }
0x49: {  	_ =	shalt  }
0x4a: {  	_ =	shalt  }
0x4b: {  	_ =	shalt  }
0x4c: {  	_ =	shalt  }
0x4d: {  	_ =	shalt  }
0x4e: {  	_ =	shalt  }
0x4f: {  	_ =	shalt  }
0x50: {  	_ =	shalt  }
0x51: {  	_ =	shalt  }
0x52: {  	_ =	shalt  }
0x53: {  	_ =	shalt  }
0x54: {  	_ =	shalt  }
0x55: {  	_ =	shalt  }
0x56: {  	_ =	shalt  }
0x57: {  	_ =	shalt  }
0x58: {  	_ =	shalt  }
0x59: {  	_ =	shalt  }
0x5a: {  	_ =	shalt  }
0x5b: {  	_ =	shalt  }
0x5c: {  	_ =	shalt  }
0x5d: {  	_ =	shalt  }
0x5e: {  	_ =	shalt  }
0x5f: {  	_ =	shalt  }
0x60: {  	_ =	shalt  }
0x61: {  	_ =	shalt  }
0x62: {  	_ =	shalt  }
0x63: {  	_ =	shalt  }
0x64: {  	_ =	shalt  }
0x65: {  	_ =	shalt  }
0x66: {  	_ =	shalt  }
0x67: {  	_ =	shalt  }
0x68: {  	_ =	shalt  }
0x69: {  	_ =	shalt  }
0x6a: {  	_ =	shalt  }
0x6b: {  	_ =	shalt  }
0x6c: {  	_ =	shalt  }
0x6d: {  	_ =	shalt  }
0x6e: {  	_ =	shalt  }
0x6f: {  	_ =	shalt  }
0x70: {  	_ =	shalt  }
0x71: {  	_ =	shalt  }
0x72: {  	_ =	shalt  }
0x73: {  	_ =	shalt  }
0x74: {  	_ =	shalt  }
0x75: {  	_ =	shalt  }
0x76: {  	_ =	shalt  }
0x77: {  	_ =	shalt  }
0x78: {  	_ =	shalt  }
0x79: {  	_ =	shalt  }
0x7a: {  	_ =	shalt  }
0x7b: {  	_ =	shalt  }
0x7c: {  	_ =	shalt  }
0x7d: {  	_ =	shalt  }
0x7e: {  	_ =	shalt  }
0x7f: {  	_ =	shalt  }
0x80: {  	_ =	shalt  }
0x81: {  	_ =	shalt  }
0x82: {  	_ =	shalt  }
0x83: {  	_ =	shalt  }
0x84: {  	_ =	shalt  }
0x85: {  	_ =	shalt  }
0x86: {  	_ =	shalt  }
0x87: {  	_ =	shalt  }
.Lfunc_end0:
.L_simem_size_0:
called_computation_lowered:
.L_overlay_start_0:
0x88: {  	s2 =	sld [smem:$0x3FD9]  }
0x89: {  	s3 =	sld [smem:$0x3FFE];
	_ =	sdelay $0x1  }
0x8a: {  	s1 =	srdreg.scid  }
0x8b: {  	s0 =	sand.u32 $0x1, s1  }
0x8c: {  	s14 =	sshll.u32 s0, $0xA;
	s2 =	sadd.s32 s3, s2  }
0x8d: {  	s2 =	sadd.s32 s2, s14  }
0x8e: {  	[smem:$0x3FBD] =	sst s2  }
0x8f: {  	_ = 	snop  }
0x90: {  	s2 =	sld [smem:$0x3FD0];
	_ =	sdelay $0x2  }
0x91: {  	s4 =	simm.s32 $0xA;
	s5 =	simm.s32 $0x10;
	s15 =	sld [smem:$0x3FC9]  }
0x92: {  	[smem:s5], [sflag:s4] =	dma.local [hbm:s2], $0x1  }
0x93: {  	_ =	swait.eq [sflag:s4], $0x1  }
0x94: {  	[sflag:s4] =	ssyncset.done $0x0  }
0x95: {  	s16 =	sld [smem:$0x10];
	[sflag:s4] =	ssyncadd.s32 $0xFFFFFFFF  }
0x96: {  	s17 =	sld [smem:$0x11];
	(tm) =	ssettm $0x1  }
0x97: {  	s18 =	sld [smem:$0x3FFB];
	_ =	sdelay $0x3  }
0x98: {  	_ =	strace s18  }
0x99: {  	s5 =	sld [smem:$0x3FFC];
	_ =	sdelay $0x3  }
0x9a: {  	_ =	strace s5  }
0x9b: {  	s5 =	sld [smem:$0x3FFD];
	_ =	sdelay $0x3  }
0x9c: {  	_ =	strace s5  }
0x9d: {  	_ =	strace $0x8FFFFFFF  }
0x9e: {  	s19 =	sld [smem:$0x3FDB];
	_ =	sdelay $0x1  }
0x9f: {  	s6 =	simm.s32 $_scs_section_size  }
0xa0: {  	s7 =	simm.s32 $_size__tile_overlayer_lowered;
	s8 =	simm.s32 $_tile_overlayer_lowered  }
0xa1: {  	s22 =	simm.s32 $0x1BFF;
	s21 =	sshll.u32 s8, $0x1;
	s5 =	sadd.s32 s6, s19  }
0xa2: {  	s9 =	simm.s32 $0x0;
	s20 =	sshll.u32 s7, $0x1;
	s7 =	sadd.s32 s21, s5  }
0xa3: {  	[timem:s9], [sflag:s22] =	dma.local [hbm:s7], s20  }
0xa4: {  	_ =	swait.ge [sflag:s22], s20  }
0xa5: {  	s6 =	ssub.s32 $0x0, s20;
	[sflag:s22] =	ssyncset.done $0x0  }
0xa6: {  	[sflag:s22] =	ssyncadd.s32 s6;
	_ =	sdelay $0x1  }
0xa7: {  	s23 =	simm.s32 $0x1B8B  }
0xa8: {  	_ =	swait.ge [sflag:s23], $0x1  }
0xa9: {  	[sflag:s23] =	ssyncset.done $0x0  }
0xaa: {  	s25 =	simm.s32 $0x1B8E;
	s24 =	sld [smem:$0x3FFE];
	[sflag:s23] =	ssyncadd.s32 $0xFFFFFFFF  }
0xab: {  	s26 =	simm.s32 $execute0_lowered;
	[smem:$0x3FD2] =	sst s25  }
0xac: {  	s7 =	sshll.u32 s26, $0x1;
	_ =	strace $0x80000046;
	[dreg:$0x1] =	wrdreg $0xFFFFFFFF  }
0xad: {  	s28 =	simm.s32 $_size_execute0_lowered;
	s5 =	sadd.s32 s5, s7;
	[dreg:$0x0] =	wrdreg $0x0  }
0xae: {  	s7 =	sshll.u32 s28, $0x1;
	[dreg:$0x2] =	wrdreg s5  }
0xaf: {  	[dreg:$0x3] =	wrdreg s7  }
0xb0: {  	[dreg:$0x4] =	wrdreg $0xC0  }
0xb1: {  	_ =	task [dreg:s9], $0x5FFFF  }
0xb2: {  	[dreg:$0x1] =	wrdreg $0xFFFFFFFF  }
0xb3: {  	[dreg:$0x0] =	wrdreg $0x60  }
0xb4: {  	[dreg:$0x2] =	wrdreg s16  }
0xb5: {  	[dreg:$0x3] =	wrdreg s15  }
0xb6: {  	[dreg:$0x4] =	wrdreg s17  }
0xb7: {  	[dreg:$0x5] =	wrdreg s24  }
0xb8: {  	[dreg:$0x6] =	wrdreg $0x9  }
0xb9: {  	_ =	task.clear_ibuf [dreg:s9], $0x7FFFF;
	_ =	strace $0x90000046  }
0xba: {  	s29 =	simm.s32 $0x9;
	_ =	strace $0x80000048  }
0xbb: {  	_ =	swait.ge [sflag:s29], $0x1  }
0xbc: {  	[sflag:s29] =	ssyncadd.s32 $0xFFFFFFFF  }
0xbd: {  	_ =	strace $0x90000048  }
0xbe: {  	_ =	sfence  }
0xbf: {  	s30 =	sld [smem:$0x0];
	_ =	sdelay $0x2  }
0xc0: {  	s31 =	sshll.u32 s1, $0xD;
	s1 =	sshrl.u32 s1, $0x2  }
0xc1: {  	s3 =	sand.u32 $0x4000, s31;
	s1 =	sadd.s32 s1, s30  }
0xc2: {  	s0 =	sor.u32 s3, s0;
	s1 =	sshll.u32 s1, $0x11  }
0xc3: {  	s0 =	sor.u32 s1, s0  }
0xc4: {  	s0 =	sadd.s32 $0x8F2B, s0  }
0xc5: {  	[sflag:s0] =	ssyncadd.remote.s32 $0x1  }
0xc6: {  	_ =	sfence.sel $0xFFFF  }
0xc7: {  	[dreg:$0x0] =	wrdreg $0xFFFFFFFF;
	(pc) =	sbr.abs _section_cstart, $3  }
0xc8: {  	[dreg:$0x1] =	wrdreg $0xFFFFFFFF  }
0xc9: {  	_ =	task.clear_ibuf [dreg:s9], $0x2FFFF;
	_ =	strace $0x9FFFFFFF  }
0xca: {  	(tm) =	ssettm $0x7FFFFFFF  }
0xcb: {  	_ =	shalt  }
tec
execute0_lowered:
.L_overlay_start_1:
0x0: {  	(tag) =	ssettag $0x1  }
0x1: {  	s1 =	rddreg [dreg:$0x0]  }
0x2: {  	s5 =	rddreg [dreg:$0x1];
	s2 =	srdreg.scid  }
0x3: {  	s4 =	rddreg [dreg:$0x2];
	s0 =	stileid.u32  }
0x4: {  	s6 =	rddreg [dreg:$0x3];
	s10 =	simm.s32 $0x2280;
	s11 =	simm.s32 $0x2000  }
0x5: {  	s12 =	simm.s32 $0x2300;
	s15 =	simm.s32 $0x3B00;
	s16 =	simm.s32 $0x4300  }
0x6: {  	s17 =	simm.s32 $0x4B00;
	s18 =	simm.s32 $0x5300;
	s19 =	simm.s32 $0x5B00  }
0x7: {  	s20 =	simm.s32 $0x6300;
	s21 =	simm.s32 $0x6B00;
	s22 =	simm.s32 $0x7300  }
0x8: {  	s23 =	simm.s32 $0x7B00;
	s24 =	simm.s32 $0x1;
	s3 =	sand.u32 $0x1, s2  }
0x9: {  	s25 =	simm.s32 $0x0;
	s8 =	sand.u32 $0x1, s0;
	s7 =	sshll.u32 s3, $0x1  }
0xa: {  	s2 =	simm.s32 $0x0;
	p0 =	sgt.u32 s0, $0x1;
	s7 =	sor.u32 s8, s7  }
0xb: {  	[smem:$0x7FF] =	sst s2;
	s3 =	ssub.s32 $0x2, s3;
	s8 =	smul.u32 $0xC00, s7  }
.Ltmp0:
0xc: {  	_ =	strace $0x80000047;
	s30 =	sshrl.u32 s3, $0x1;
	(pc) =	sbr.rel .LBB2_1-.Ltmp0, $4  }
0xd: {  	s9 =	smul.u32 $0xC0000, s7;
	s31 =	sshll.u32 s7, $0xA;
	s7 =	sshll.u32 s7, $0x4  }
0xe: {  	v0 =	vlaneseq.u32;
	v2 =	vimm.f32 $-Inf;
	s4 =	sadd.s32 s4, s7;
	s6 =	sadd.s32 s8, s6;
	s8 =	ssub.s32 s3, s30  }
0xf: {  	vm0 =	vmmov $0xffff;
	v1 =	vor.u32 $0x80000000, v0;
	v4 =	vshrl.u32 v0, $0x3;
	s3 =	sadd.s32 s1, s31;
	s5 =	sadd.s32 s5, s9;
	s9 =	simm.s32 $0x2200  }
0x10: {  	v3 =	vand.u32 $0x7, v0;
	v5 =	vor.u32 $0x8, v0;
	v4 =	vmul.u32 $0x8, v4;
	s6 =	sadd.s32 $0x1E00, s6;
	s7 =	smax.u32 s8, $0x1;
	s8 =	simm.s32 $0x2  }
.LBB2_10:
0x11: {  	s25 =	sadd.s32 $0x1, s25  }
0x12: {  	p1 =	sne.s32 s25, s7  }
.Ltmp1:
0x13: {  	_ = 	snop;
	(pc) =	sbr.rel @!p1 .LBB2_11-.Ltmp1, $1  }
0x14: {  	_ =	sdelay $0x3  }
.LBB2_1:
0x15: {  	[tilespmem:s2], [sflag:$0x2] =	stream.linear.gather [hbm4b:s3+s2], $0x2000, $0x38;
	[tilespmem:$0x8300] =	vst v63  }
0x16: {  	_ =	swait.ge [sflag:s8], $0x2000  }
0x17: {  	[sflag:s8] =	ssyncset.done $0x0  }
0x18: {  	s28 =	simm.s32 $0x0;
	[sflag:s8] =	ssyncadd.s32 $0xFFFFE000  }
.LBB2_2:
0x19: {  	s1 =	sshll.u32 s28, $0x8;
	s26 =	simm.s32 $0x0  }
0x1a: {  	s29 =	sand.u32 $0x3FFFFF00, s1;
	s13 =	sand.u32 $0x80, s26  }
0x1b: {  	s30 =	sand.u32 $0x70, s26;
	s1 =	sadd.s32 s13, s29  }
0x1c: {  	s1 =	sadd.s32 s30, s1  }
0x1d: {  	v7 =	vld [tilespmem:s1+$0x0];
	_ =	sdelay $0x1  }
0x1e: {  	s14 =	simm.s32 $0x10  }
0x1f: {  	s30 =	sand.u32 $0x80, s14  }
0x20: {  	s1 =	sand.u32 $0x70, s14;
	s30 =	sadd.s32 s30, s29  }
0x21: {  	s1 =	sadd.s32 s1, s30;
	(xrf0) =	vmax.scan.msk.f32 $0xffff, v7  }
0x22: {  	v7 =	vld [tilespmem:s1+$0x0]  }
0x23: {  	v6 =	vimm.f32 $-Inf;
	s31 =	simm.s32 $0x2;
	s30 =	simm.s32 $0x1;
	s1 =	simm.s32 $0x20  }
.LBB2_3:
0x24: {  	s0 =	sand.u32 $0x80, s1  }
0x25: {  	p1 =	sne.s32 s31, $0xF;
	s13 =	smov.u32 s31;
	s31 =	sadd.s32 $0x1, s31  }
.Ltmp2:
0x26: {  	s14 =	sand.u32 $0x70, s1;
	s0 =	sadd.s32 s0, s29;
	(pc) =	sbr.rel @p1 .LBB2_3-.Ltmp2, $4  }
0x27: {  	s0 =	sadd.s32 s14, s0;
	(xrf0) =	vmax.scan.msk.f32 $0xffff, v7;
	v8, _, _ =	vpop (xrf0)  }
0x28: {  	v9 =	vmov s26;
	s26 =	smov.u32 s30;
	s30 =	smov.u32 s13;
	v7 =	vld [tilespmem:s0+$0x0];
	v8 =	vbroadcast v8, $0xF  }
0x29: {  	vm1 =	veq.s32 v9, v0  }
0x2a: {  	s1 =	sadd.s32 $0x10, s1;
	v6 =	vsel vm1, v8, v6  }
0x2b: {  	_ =	sdelay $0x1  }
0x2c: {  	(xrf0) =	vmax.scan.msk.f32 $0xffff, v7;
	_ =	sdelay $0x3  }
0x2d: {  	s0 =	sshll.u32 s28, $0x4;
	s28 =	sadd.s32 $0x1, s28  }
0x2e: {  	p1 =	sne.s32 s28, $0x20;
	v7, _, _ =	vpop (xrf0)  }
.Ltmp3:
0x2f: {  	v8 =	vmov s26;
	v7 =	vbroadcast v7, $0xF;
	v9, _, _ =	vpop (xrf0);
	(pc) =	sbr.rel @p1 .LBB2_2-.Ltmp3, $4  }
0x30: {  	v63 =	vmov s30;
	vm1 =	veq.s32 v8, v0;
	v9 =	vbroadcast v9, $0xF  }
0x31: {  	v6 =	vsel vm1, v7, v6;
	vm1 =	veq.s32 v63, v0  }
0x32: {  	s0 =	sand.u32 $0x3FFFFFF0, s0;
	v6 =	vsel vm1, v9, v6  }
0x33: {  	s26 =	simm.s32 $0x0;
	[tilespmem:s0+$0x2000] =	vst v6  }
.LBB2_5:
0x34: {  	s0 =	simm.s32 $0x2000  }
0x35: {  	v7 =	vld [tilespmem:s0+$0x0];
	_ =	sdelay $0x3  }
0x36: {  	v8 =	vimm.f32 $-Inf  }
0x37: {  	v6 =	vimm.s32 $0x0;
	s28 =	simm.s32 $0x1;
	s29 =	simm.s32 $0x2010;
	s1 =	simm.s32 $0x0;
	vm1 =	vgt.f32 v7, v8  }
.LBB2_6:
0x38: {  	p1 =	sne.s32 s28, $0x1F;
	v8 =	vsel vm1, v7, v8;
	v7 =	vld [tilespmem:s29+$0x0];
	v6 =	vsel vm1, s1, v6;
	s1 =	smov.u32 s28;
	s28 =	sadd.s32 $0x1, s28  }
.Ltmp4:
0x39: {  	(pc) =	sbr.rel @p1 .LBB2_6-.Ltmp4, $2  }
0x3a: {  	_ =	sdelay $0x2  }
0x3b: {  	s29 =	sadd.s32 $0x10, s29;
	vm1 =	vgt.f32 v7, v8  }
0x3c: {  	v7 =	vsel vm1, v7, v8  }
0x3d: {  	(xrf0) =	vmax.scan.msk.f32 $0xffff, v7;
	_ =	sdelay $0x5  }
0x3e: {  	v63, _, _ =	vpop (xrf0)  }
0x3f: {  	v6 =	vsel vm1, s1, v6;
	v8 =	vbroadcast v63, $0xF  }
0x40: {  	v6 =	vshll.u32 v6, $0x4  }
0x41: {  	v6 =	vxor.u32 v1, v6;
	vm1 =	veq.f32 v7, v8  }
0x42: {  	v6 =	vnsel vm1, $0xC0000000, v6  }
0x43: {  	(xrf0) =	vmin.scan.msk.u32 $0xffff, v6;
	_ =	sdelay $0x5  }
0x44: {  	v6, _, _ =	vpop (xrf0)  }
0x45: {  	(v2sf) =	vpush v6, $0xF;
	_ =	sdelay $0xe  }
0x46: {  	s0 =	spop (v2sf)  }
0x47: {  	s31 =	sshll.u32 s0, $0x4  }
0x48: {  	v6 =	vld [tilespmem:s31+$0x0];
	_ =	sdelay $0x4  }
0x49: {  	vm1 =	veq.f32 v6, v8;
	v6 =	vxor.u32 s31, v1  }
0x4a: {  	v6 =	vnsel vm1, $0xC0000000, v6  }
0x4b: {  	(xrf0) =	vmin.scan.msk.u32 $0xffff, v6;
	_ =	sdelay $0x5  }
0x4c: {  	v6, _, _ =	vpop (xrf0)  }
0x4d: {  	(v2sf) =	vpush v6, $0xF;
	_ =	sdelay $0xe  }
0x4e: {  	v6 =	vmov s26;
	s13 =	spop (v2sf)  }
0x4f: {  	s13 =	sxor.u32 $0x80000000, s13  }
0x50: {  	v7 =	vmov s13;
	_ =	sdelay $0x2  }
0x51: {  	[tilespmem:v6+s9+$0x0] =	vst.idx.msk $0x1, v8  }
0x52: {  	[tilespmem:v6+s10+$0x0] =	vst.idx.msk $0x1, v7  }
0x53: {  	[tilespmem:v7+s2+$0x0] =	vst.idx.msk $0x1, v2  }
0x54: {  	v6 =	vld [tilespmem:s31+$0x0];
	_ =	sdelay $0x4  }
0x55: {  	(xrf0) =	vmax.scan.msk.f32 $0xffff, v6;
	_ =	sdelay $0x2  }
0x56: {  	s0 =	sxor.u32 $0x80000000, s0;
	s26 =	sadd.s32 $0x1, s26  }
0x57: {  	p1 =	sne.s32 s26, $0x20;
	v6 =	vmov s0  }
.Ltmp5:
0x58: {  	_ = 	snop;
	(pc) =	sbr.rel @p1 .LBB2_5-.Ltmp5, $3  }
0x59: {  	v7, _, _ =	vpop (xrf0)  }
0x5a: {  	v7 =	vbroadcast v7, $0xF;
	_ =	sdelay $0x1  }
0x5b: {  	[tilespmem:v6+s11+$0x0] =	vst.idx.msk $0x1, v7  }
.Ltmp6:
0x5c: {  	(pc) =	sbr.rel @p0 .LBB2_10-.Ltmp6, $1  }
0x5d: {  	_ =	sdelay $0x3  }
0x5e: {  	[hbm4b:s4+s2] =	stream.linear.scatter [tilespmem:s9], [sflag:$0x2], $0x80, $0x38;
	[tilespmem:$0x8300] =	vst v63  }
0x5f: {  	_ =	swait.ge [sflag:s8], $0x80  }
0x60: {  	[sflag:s8] =	ssyncset.done $0x0  }
0x61: {  	[sflag:s8] =	ssyncadd.s32 $0xFFFFFF80  }
0x62: {  	v6 =	vld [tilespmem:$0x2280];
	_ =	sdelay $0x4  }
0x63: {  	v7 =	vshrl.u32 v6, $0x3  }
0x64: {  	v7 =	vmul.u32 $0x30, v7  }
0x65: {  	v6 =	vand.u32 $0x7, v6  }
0x66: {  	v6 =	vor.u32 v6, v7  }
0x67: {  	v7 =	vperm.xlane v6, v3;
	_ =	sdelay $0x1  }
0x68: {  	v7 =	vadd.s32 v4, v7;
	_ =	sdelay $0x3  }
0x69: {  	v6 =	vperm.xlane v6, v5  }
0x6a: {  	[tilespmem:s12], [sflag:$0x1] =	stream.indirect_vreg.gather [hbm4b:s5+s2], $0x80, v7, vm0, $0xb8;
	[tilespmem:$0x8300] =	vst v63  }
0x6b: {  	s0 =	sadd.s32 $0x100, s5;
	s1 =	simm.s32 $0x2B00;
	v6 =	vadd.s32 v4, v6  }
0x6c: {  	[tilespmem:s1], [sflag:$0x1] =	stream.indirect_vreg.gather [hbm4b:s0+s2], $0x80, v7, vm0, $0xb8;
	[tilespmem:$0x8300] =	vst v63  }
0x6d: {  	s31 =	sadd.s32 $0x200, s5;
	s13 =	simm.s32 $0x3300  }
0x6e: {  	[tilespmem:s13], [sflag:$0x1] =	stream.indirect_vreg.gather [hbm4b:s31+s2], $0x80, v7, vm0, $0xb8;
	[tilespmem:$0x8300] =	vst v63  }
0x6f: {  	_ = 	snop  }
0x70: {  	[tilespmem:s15], [sflag:$0x1] =	stream.indirect_vreg.gather [hbm4b:s5+s2], $0x80, v6, vm0, $0xb8;
	[tilespmem:$0x8300] =	vst v63  }
0x71: {  	_ = 	snop  }
0x72: {  	[tilespmem:s16], [sflag:$0x1] =	stream.indirect_vreg.gather [hbm4b:s0+s2], $0x80, v6, vm0, $0xb8;
	[tilespmem:$0x8300] =	vst v63  }
0x73: {  	_ = 	snop  }
0x74: {  	[tilespmem:s17], [sflag:$0x1] =	stream.indirect_vreg.gather [hbm4b:s31+s2], $0x80, v6, vm0, $0xb8;
	[tilespmem:$0x8300] =	vst v63  }
0x75: {  	v6 =	vld [tilespmem:$0x2290];
	_ =	sdelay $0x4  }
0x76: {  	v7 =	vshrl.u32 v6, $0x3  }
0x77: {  	v7 =	vmul.u32 $0x30, v7  }
0x78: {  	v6 =	vand.u32 $0x7, v6  }
0x79: {  	v6 =	vor.u32 v6, v7  }
0x7a: {  	v7 =	vperm.xlane v6, v3;
	_ =	sdelay $0x1  }
0x7b: {  	v7 =	vadd.s32 v4, v7;
	_ =	sdelay $0x3  }
0x7c: {  	v6 =	vperm.xlane v6, v5  }
0x7d: {  	[tilespmem:s18], [sflag:$0x1] =	stream.indirect_vreg.gather [hbm4b:s5+s2], $0x80, v7, vm0, $0xb8;
	[tilespmem:$0x8300] =	vst v63  }
0x7e: {  	v6 =	vadd.s32 v4, v6  }
0x7f: {  	[tilespmem:s19], [sflag:$0x1] =	stream.indirect_vreg.gather [hbm4b:s0+s2], $0x80, v7, vm0, $0xb8;
	[tilespmem:$0x8300] =	vst v63  }
0x80: {  	_ = 	snop  }
0x81: {  	[tilespmem:s20], [sflag:$0x1] =	stream.indirect_vreg.gather [hbm4b:s31+s2], $0x80, v7, vm0, $0xb8;
	[tilespmem:$0x8300] =	vst v63  }
0x82: {  	_ = 	snop  }
0x83: {  	[tilespmem:s21], [sflag:$0x1] =	stream.indirect_vreg.gather [hbm4b:s5+s2], $0x80, v6, vm0, $0xb8;
	[tilespmem:$0x8300] =	vst v63  }
0x84: {  	_ = 	snop  }
0x85: {  	[tilespmem:s22], [sflag:$0x1] =	stream.indirect_vreg.gather [hbm4b:s0+s2], $0x80, v6, vm0, $0xb8;
	[tilespmem:$0x8300] =	vst v63  }
0x86: {  	_ = 	snop  }
0x87: {  	[tilespmem:s23], [sflag:$0x1] =	stream.indirect_vreg.gather [hbm4b:s31+s2], $0x80, v6, vm0, $0xb8;
	[tilespmem:$0x8300] =	vst v63  }
0x88: {  	_ =	swait.ge [sflag:s24], $0x6000  }
0x89: {  	[sflag:s24] =	ssyncset.done $0x0  }
.Ltmp7:
0x8a: {  	[sflag:s24] =	ssyncadd.s32 $0xFFFFA000;
	(pc) =	sbr.rel .LBB2_10-.Ltmp7, $4  }
0x8b: {  	[hbm4b:s6+s2] =	stream.linear.scatter [tilespmem:s12], [sflag:$0x2], $0x6000, $0x38;
	[tilespmem:$0x8300] =	vst v63  }
0x8c: {  	_ =	swait.ge [sflag:s8], $0x6000  }
0x8d: {  	[sflag:s8] =	ssyncset.done $0x0  }
0x8e: {  	[sflag:s8] =	ssyncadd.s32 $0xFFFFA000  }
.LBB2_11:
0x8f: {  	_ =	sfence.sel $0x180000  }
0x90: {  	[bflag:$0x0] =	sbarrier.arrive $0xFFFF  }
0x91: {  	_ =	strace $0x90000047  }
0x92: {  	s0 =	stileid.u32;
	[bflag:$0x2] =	sbarrier.arrive $0xFFFF  }
0x93: {  	p0 =	sne.s32 s0, $0x0;
	s0 =	rddreg [dreg:$0x4]  }
0x94: {  	s0 =	sadd.s32 @!p0 $0x100000, s0  }
0x95: {  	[sflag:s0] =	ssyncadd.tile.s32 @!p0 $0x1;
	_ =	shalt  }
.Lfunc_end2:
_tile_overlayer_lowered:
.L_overlay_start_2:
0x96: {  	(tag) =	ssettag $0x2  }
0x97: {  	s0 =	rddreg [dreg:$0x0];
	s2 =	stileid.u32  }
0x98: {  	s1 =	rddreg [dreg:$0x1];
	p0 =	sne.s32 s2, $0x0  }
0x99: {  	s3 =	rddreg [dreg:$0x2];
	[bflag:$0x3] =	sbarrier.arrive $0xFFFF;
	s2 =	simm.s32 @!p0 $0x1C02  }
0x9a: {  	[timem:s3], [sflag:s2] =	dma.local @!p0 [hbm:s0], s1  }
0x9b: {  	s0 =	simm.s32 @!p0 $0x2  }
0x9c: {  	_ =	swait.ge @!p0 [sflag:s0], s1  }
0x9d: {  	s1 =	ssub.s32 @!p0 $0x0, s1;
	[sflag:s0] =	ssyncset.done @!p0 $0x0  }
0x9e: {  	[sflag:s0] =	ssyncadd.s32 @!p0 s1  }
0x9f: {  	[bflag:$0x3] =	sbarrier.arrive $0xFFFF  }
0xa0: {  	_ =	shalt  }

</sc_bundles>
